<compile_context>
chip_gen: v7x
topology: tpu7x:2x2x1
jax: 0.10.2.dev20260603
libtpu: 0.0.44.dev20260713+nightly
codegen_flags: <defaults>
</compile_context>

<pallas_src>
import functools

import jax
import jax.numpy as jnp
from jax import lax
from jax.experimental import pallas as pl
from jax.experimental.pallas import tpu as pltpu
from jax.experimental.pallas import tpu_sc as plsc


def _combine_sc_body(ids_hbm, tw_hbm, out_hbm, i0_v, i1_v, w0_v, w1_v, out_v):
    T = 256
    wid = lax.axis_index("s") * 2 + lax.axis_index("c")

    @pl.when(wid < 16)
    def _():
        base = wid * 16
        pltpu.sync_copy(ids_hbm.at[pl.ds(base, 16)], i0_v)
        pltpu.sync_copy(ids_hbm.at[pl.ds(T + base, 16)], i1_v)
        pltpu.sync_copy(tw_hbm.at[pl.ds(base, 16)], w0_v)
        pltpu.sync_copy(tw_hbm.at[pl.ds(T + base, 16)], w1_v)
        id0, id1 = i0_v[...], i1_v[...]
        w0, w1 = w0_v[...], w1_v[...]
        fzero = jnp.zeros((16,), jnp.float32)
        for e in range(8):
            ev = jnp.full((16,), e, jnp.int32)
            out_v[pl.ds(e * 16, 16)] = (jnp.where(id0 == ev, w0, fzero)
                                        + jnp.where(id1 == ev, w1, fzero))
        for e in range(8):
            pltpu.sync_copy(out_v.at[pl.ds(e * 16, 16)],
                            out_hbm.at[pl.ds(e * T + base, 16)])


def _moe_kernel(x_ref, g_ref, u_ref, d_ref, c_ref, o_ref):
    e = pl.program_id(0)
    f = pl.program_id(1)

    @pl.when((e == 0) & (f == 0))
    def _init():
        o_ref[...] = jnp.zeros_like(o_ref)

    x = x_ref[...].astype(jnp.bfloat16)
    g = g_ref[0].astype(jnp.bfloat16)
    u = u_ref[0].astype(jnp.bfloat16)
    d = d_ref[0].astype(jnp.bfloat16)

    gate = jax.lax.dot_general(x, g, (((1,), (1,)), ((), ())),
                               preferred_element_type=jnp.float32)
    up = jax.lax.dot_general(x, u, (((1,), (1,)), ((), ())),
                             preferred_element_type=jnp.float32)
    act = (gate * jax.lax.logistic(gate)) * up
    eo = jax.lax.dot_general(act.astype(jnp.bfloat16), d,
                             (((1,), (1,)), ((), ())),
                             preferred_element_type=jnp.float32)

    cmb = c_ref[...]
    ecol = lax.broadcasted_iota(jnp.int32, cmb.shape, 1)
    w = jnp.sum(jnp.where(ecol == e, cmb, 0.0), axis=1)
    o_ref[...] += w[:, None] * eo


@functools.partial(jax.jit, static_argnames=())
def kernel(hidden_states, topk_weights, topk_ids, gate_up_weight, down_weight):
    T, D = hidden_states.shape
    E, two_ffn, _ = gate_up_weight.shape
    ffn = two_ffn // 2
    F = 1024
    nf = ffn // F

    mesh = plsc.VectorSubcoreMesh(core_axis_name="c", subcore_axis_name="s")
    combine = pl.kernel(
        _combine_sc_body,
        mesh=mesh,
        out_type=jax.ShapeDtypeStruct((E * T,), jnp.float32),
        scratch_types=[
            pltpu.VMEM((16,), jnp.int32),
            pltpu.VMEM((16,), jnp.int32),
            pltpu.VMEM((16,), jnp.float32),
            pltpu.VMEM((16,), jnp.float32),
            pltpu.VMEM((16 * E,), jnp.float32),
        ],
    )(topk_ids.T.reshape(-1), topk_weights.T.reshape(-1))
    combine = combine.reshape(E, T).T

    grid = (E, nf)
    out = pl.pallas_call(
        _moe_kernel,
        grid=grid,
        in_specs=[
            pl.BlockSpec((T, D), lambda e, f: (0, 0)),
            pl.BlockSpec((1, F, D), lambda e, f: (e, f, 0)),
            pl.BlockSpec((1, F, D), lambda e, f, _nf=nf: (e, f + _nf, 0)),
            pl.BlockSpec((1, D, F), lambda e, f: (e, 0, f)),
            pl.BlockSpec((T, E), lambda e, f: (0, 0)),
        ],
        out_specs=pl.BlockSpec((T, D), lambda e, f: (0, 0)),
        out_shape=jax.ShapeDtypeStruct((T, D), jnp.float32),
    )(hidden_states, gate_up_weight, gate_up_weight, down_weight, combine)
    return out

# --- scband reference (transcript-rebuilt; emitter-appended) ---
"""Pipeline reference for scband-fused-mo-e-44848048505292 (READ-ONLY COPY).

The authoritative reference and input builder live on the scoring server;
editing this copy changes nothing except your own understanding.
"""

import jax, jax.numpy as jnp
import numpy as np


def setup_inputs(seed: int = 0) -> dict:
    key = jax.random.key(seed)
    k1, k2, k3, k4, k5 = jax.random.split(key, 5)
    hidden_states = jax.random.normal(k1, (256, 1024), dtype=jnp.float32)
    topk_weights = jax.random.uniform(k2, (256, 2), dtype=jnp.float32)
    topk_ids = jax.random.randint(k3, (256, 2), 0, 8)
    # LinearWeights stores weight as [num_experts, out_features, in_features]
    gate_up_weight = jax.random.normal(k4, (8, 4096, 1024), dtype=jnp.float32) * 0.02
    down_weight = jax.random.normal(k5, (8, 1024, 2048), dtype=jnp.float32) * 0.02
    return {
        'hidden_states': hidden_states,
        'topk_weights': topk_weights,
        'topk_ids': topk_ids,
        'gate_up_weight': gate_up_weight,
        'down_weight': down_weight,
    }


def reference(hidden_states, topk_weights, topk_ids, gate_up_weight, down_weight):
    # FusedMoE forward: for each token, route to top_k experts, apply
    # SiLU-gated FFN per expert (gate_up then down), combine with topk_weights.
    # renormalize=False, so topk_weights are used as-is.
    T, D = hidden_states.shape
    E = gate_up_weight.shape[0]
    half = gate_up_weight.shape[1] // 2
    # per-expert gate_up projection: x @ W_gu[e].T  -> [E, T, 2*ffn]
    gu = jnp.einsum('td,eod->eto', hidden_states, gate_up_weight)
    gate = gu[..., :half]
    up = gu[..., half:]
    act = jax.nn.silu(gate) * up
    # per-expert down projection: h @ W_down[e].T -> [E, T, D]
    expert_out = jnp.einsum('etf,edf->etd', act, down_weight)
    # combine weights via scatter-add into a [T, E] combine matrix
    combine = jnp.zeros((T, E), dtype=hidden_states.dtype).at[
        jnp.arange(T)[:, None], topk_ids
    ].add(topk_weights)
    out = jnp.einsum('te,etd->td', combine, expert_out)
    return out

if __name__ == "__main__":
    import jax
    _d = setup_inputs()
    print(jax.jit(kernel)(*tuple(_d.values())))

</pallas_src>

<mosaic_0001>
#map = affine_map<(d0, d1) -> (0)>
module attributes {stable_mosaic.version = 14 : i64} {
  func.func @_combine_sc_body(%arg0: i32, %arg1: i32, %arg2: memref<512xi32, #tpu.memory_space<hbm>>, %arg3: memref<512xf32, #tpu.memory_space<hbm>>, %arg4: memref<2048xf32, #tpu.memory_space<hbm>>, %arg5: memref<16xi32, #tpu.memory_space<vmem>>, %arg6: memref<16xi32, #tpu.memory_space<vmem>>, %arg7: memref<16xf32, #tpu.memory_space<vmem>>, %arg8: memref<16xf32, #tpu.memory_space<vmem>>, %arg9: memref<128xf32, #tpu.memory_space<vmem>>) attributes {dimension_semantics = [#tpu.dimension_semantics<core_parallel>, #tpu.dimension_semantics<subcore_parallel>], iteration_bounds = array<i64: 2, 16>, scalar_prefetch = 0 : i64, scratch_operands = 5 : i64, tpu.core_type = #tpu.core_type<sc_vector_subcore>, window_params = [{transform_indices = #map}, {transform_indices = #map}, {transform_indices = #map}]} {
    %mul3A = arith.constant 2 : i32
    %mul3A_0 = arith.muli %arg1, %mul3A : i32
    %add3A = arith.addi %mul3A_0, %arg0 : i32
    %lt3A = arith.constant 16 : i32
    %lt3A_1 = arith.cmpi slt, %add3A, %lt3A : i32
    %convert_element_type3A = arith.extui %lt3A_1 : i1 to i32
    %cond3A = arith.constant 0 : i32
    %cond3A_2 = arith.cmpi ne, %convert_element_type3A, %cond3A : i32
    scf.if %cond3A_2 {
      %mul3A_3 = arith.constant 16 : i32
      %mul3A_4 = arith.muli %add3A, %mul3A_3 : i32
      "tpu.region"() ({
        %run_scoped3A = tpu.sem_alloc : memref<!tpu.dma_semaphore, #tpu.memory_space<semaphore_mem>>
        %dma_start3A = tpu.memref_slice %arg2[%mul3A_4] : memref<512xi32, #tpu.memory_space<hbm>> -> memref<16xi32, #tpu.memory_space<hbm>>
        %dma_start3A_122 = tpu.memref_slice %arg2[%mul3A_4] : memref<512xi32, #tpu.memory_space<hbm>> -> memref<16xi32, #tpu.memory_space<hbm>>
        tpu.enqueue_dma source(%dma_start3A_122 : memref<16xi32, #tpu.memory_space<hbm>>) target(%arg5 : memref<16xi32, #tpu.memory_space<vmem>>) target_semaphore(%run_scoped3A : memref<!tpu.dma_semaphore, #tpu.memory_space<semaphore_mem>>)
        %dma_wait3A = tpu.memref_slice %arg2[%mul3A_4] : memref<512xi32, #tpu.memory_space<hbm>> -> memref<16xi32, #tpu.memory_space<hbm>>
        %dma_wait3A_123 = tpu.memref_slice %arg2[%mul3A_4] : memref<512xi32, #tpu.memory_space<hbm>> -> memref<16xi32, #tpu.memory_space<hbm>>
        tpu.wait_dma2 semaphore(%run_scoped3A : memref<!tpu.dma_semaphore, #tpu.memory_space<semaphore_mem>>) src(%dma_wait3A_123 : memref<16xi32, #tpu.memory_space<hbm>>) dst(%arg5 : memref<16xi32, #tpu.memory_space<vmem>>)
        tpu.yield
      }) : () -> ()
      %add3A_5 = arith.constant 256 : i32
      %add3A_6 = arith.addi %add3A_5, %mul3A_4 : i32
      "tpu.region"() ({
        %run_scoped3A = tpu.sem_alloc : memref<!tpu.dma_semaphore, #tpu.memory_space<semaphore_mem>>
        %dma_start3A = tpu.memref_slice %arg2[%add3A_6] : memref<512xi32, #tpu.memory_space<hbm>> -> memref<16xi32, #tpu.memory_space<hbm>>
        %dma_start3A_122 = tpu.memref_slice %arg2[%add3A_6] : memref<512xi32, #tpu.memory_space<hbm>> -> memref<16xi32, #tpu.memory_space<hbm>>
        tpu.enqueue_dma source(%dma_start3A_122 : memref<16xi32, #tpu.memory_space<hbm>>) target(%arg6 : memref<16xi32, #tpu.memory_space<vmem>>) target_semaphore(%run_scoped3A : memref<!tpu.dma_semaphore, #tpu.memory_space<semaphore_mem>>)
        %dma_wait3A = tpu.memref_slice %arg2[%add3A_6] : memref<512xi32, #tpu.memory_space<hbm>> -> memref<16xi32, #tpu.memory_space<hbm>>
        %dma_wait3A_123 = tpu.memref_slice %arg2[%add3A_6] : memref<512xi32, #tpu.memory_space<hbm>> -> memref<16xi32, #tpu.memory_space<hbm>>
        tpu.wait_dma2 semaphore(%run_scoped3A : memref<!tpu.dma_semaphore, #tpu.memory_space<semaphore_mem>>) src(%dma_wait3A_123 : memref<16xi32, #tpu.memory_space<hbm>>) dst(%arg6 : memref<16xi32, #tpu.memory_space<vmem>>)
        tpu.yield
      }) : () -> ()
      "tpu.region"() ({
        %run_scoped3A = tpu.sem_alloc : memref<!tpu.dma_semaphore, #tpu.memory_space<semaphore_mem>>
        %dma_start3A = tpu.memref_slice %arg3[%mul3A_4] : memref<512xf32, #tpu.memory_space<hbm>> -> memref<16xf32, #tpu.memory_space<hbm>>
        %dma_start3A_122 = tpu.memref_slice %arg3[%mul3A_4] : memref<512xf32, #tpu.memory_space<hbm>> -> memref<16xf32, #tpu.memory_space<hbm>>
        tpu.enqueue_dma source(%dma_start3A_122 : memref<16xf32, #tpu.memory_space<hbm>>) target(%arg7 : memref<16xf32, #tpu.memory_space<vmem>>) target_semaphore(%run_scoped3A : memref<!tpu.dma_semaphore, #tpu.memory_space<semaphore_mem>>)
        %dma_wait3A = tpu.memref_slice %arg3[%mul3A_4] : memref<512xf32, #tpu.memory_space<hbm>> -> memref<16xf32, #tpu.memory_space<hbm>>
        %dma_wait3A_123 = tpu.memref_slice %arg3[%mul3A_4] : memref<512xf32, #tpu.memory_space<hbm>> -> memref<16xf32, #tpu.memory_space<hbm>>
        tpu.wait_dma2 semaphore(%run_scoped3A : memref<!tpu.dma_semaphore, #tpu.memory_space<semaphore_mem>>) src(%dma_wait3A_123 : memref<16xf32, #tpu.memory_space<hbm>>) dst(%arg7 : memref<16xf32, #tpu.memory_space<vmem>>)
        tpu.yield
      }) : () -> ()
      %add3A_7 = arith.constant 256 : i32
      %add3A_8 = arith.addi %add3A_7, %mul3A_4 : i32
      "tpu.region"() ({
        %run_scoped3A = tpu.sem_alloc : memref<!tpu.dma_semaphore, #tpu.memory_space<semaphore_mem>>
        %dma_start3A = tpu.memref_slice %arg3[%add3A_8] : memref<512xf32, #tpu.memory_space<hbm>> -> memref<16xf32, #tpu.memory_space<hbm>>
        %dma_start3A_122 = tpu.memref_slice %arg3[%add3A_8] : memref<512xf32, #tpu.memory_space<hbm>> -> memref<16xf32, #tpu.memory_space<hbm>>
        tpu.enqueue_dma source(%dma_start3A_122 : memref<16xf32, #tpu.memory_space<hbm>>) target(%arg8 : memref<16xf32, #tpu.memory_space<vmem>>) target_semaphore(%run_scoped3A : memref<!tpu.dma_semaphore, #tpu.memory_space<semaphore_mem>>)
        %dma_wait3A = tpu.memref_slice %arg3[%add3A_8] : memref<512xf32, #tpu.memory_space<hbm>> -> memref<16xf32, #tpu.memory_space<hbm>>
        %dma_wait3A_123 = tpu.memref_slice %arg3[%add3A_8] : memref<512xf32, #tpu.memory_space<hbm>> -> memref<16xf32, #tpu.memory_space<hbm>>
        tpu.wait_dma2 semaphore(%run_scoped3A : memref<!tpu.dma_semaphore, #tpu.memory_space<semaphore_mem>>) src(%dma_wait3A_123 : memref<16xf32, #tpu.memory_space<hbm>>) dst(%arg8 : memref<16xf32, #tpu.memory_space<vmem>>)
        tpu.yield
      }) : () -> ()
      %get3A = arith.constant 0 : index
      %get3A_9 = tpu.vector_load %arg5[%get3A] {strides = array<i32>} : memref<16xi32, #tpu.memory_space<vmem>>, vector<16xi32>,
      %get3A_10 = vector.shape_cast %get3A_9 : vector<16xi32> to vector<16xi32>
      %get3A_11 = arith.constant 0 : index
      %get3A_12 = tpu.vector_load %arg6[%get3A_11] {strides = array<i32>} : memref<16xi32, #tpu.memory_space<vmem>>, vector<16xi32>,
      %get3A_13 = vector.shape_cast %get3A_12 : vector<16xi32> to vector<16xi32>
      %get3A_14 = arith.constant 0 : index
      %get3A_15 = tpu.vector_load %arg7[%get3A_14] {strides = array<i32>} : memref<16xf32, #tpu.memory_space<vmem>>, vector<16xf32>,
      %get3A_16 = vector.shape_cast %get3A_15 : vector<16xf32> to vector<16xf32>
      %get3A_17 = arith.constant 0 : index
      %get3A_18 = tpu.vector_load %arg8[%get3A_17] {strides = array<i32>} : memref<16xf32, #tpu.memory_space<vmem>>, vector<16xf32>,
      %get3A_19 = vector.shape_cast %get3A_18 : vector<16xf32> to vector<16xf32>
      %broadcast_in_dim3A = arith.constant 0.000000e+00 : f32
      %broadcast_in_dim3A_20 = vector.broadcast %broadcast_in_dim3A : f32 to vector<16xf32>
      %broadcast_in_dim3A_21 = arith.constant 0 : i32
      %broadcast_in_dim3A_22 = vector.broadcast %broadcast_in_dim3A_21 : i32 to vector<16xi32>
      %eq3A = arith.cmpi eq, %get3A_10, %broadcast_in_dim3A_22 : vector<16xi32>
      %select_n3A = arith.select %eq3A, %get3A_16, %broadcast_in_dim3A_20 : vector<16xi1>, vector<16xf32>
      %eq3A_23 = arith.cmpi eq, %get3A_13, %broadcast_in_dim3A_22 : vector<16xi32>
      %select_n3A_24 = arith.select %eq3A_23, %get3A_19, %broadcast_in_dim3A_20 : vector<16xi1>, vector<16xf32>
      %add3A_25 = arith.addf %select_n3A, %select_n3A_24 : vector<16xf32>
      %swap3A = arith.constant 0 : index
      %swap3A_26 = tpu.vector_load %arg9[%swap3A] {strides = array<i32>} : memref<128xf32, #tpu.memory_space<vmem>>, vector<16xf32>,
      %swap3A_27 = vector.shape_cast %swap3A_26 : vector<16xf32> to vector<16xf32>
      %swap3A_28 = vector.shape_cast %add3A_25 : vector<16xf32> to vector<16xf32>
      tpu.vector_store %arg9[%swap3A], %swap3A_28 {strides = array<i32>} : memref<128xf32, #tpu.memory_space<vmem>>, vector<16xf32>,
      %broadcast_in_dim3A_29 = arith.constant 1 : i32
      %broadcast_in_dim3A_30 = vector.broadcast %broadcast_in_dim3A_29 : i32 to vector<16xi32>
      %eq3A_31 = arith.cmpi eq, %get3A_10, %broadcast_in_dim3A_30 : vector<16xi32>
      %select_n3A_32 = arith.select %eq3A_31, %get3A_16, %broadcast_in_dim3A_20 : vector<16xi1>, vector<16xf32>
      %eq3A_33 = arith.cmpi eq, %get3A_13, %broadcast_in_dim3A_30 : vector<16xi32>
      %select_n3A_34 = arith.select %eq3A_33, %get3A_19, %broadcast_in_dim3A_20 : vector<16xi1>, vector<16xf32>
      %add3A_35 = arith.addf %select_n3A_32, %select_n3A_34 : vector<16xf32>
      %swap3A_36 = arith.constant 16 : index
      %swap3A_37 = tpu.vector_load %arg9[%swap3A_36] {strides = array<i32>} : memref<128xf32, #tpu.memory_space<vmem>>, vector<16xf32>,
      %swap3A_38 = vector.shape_cast %swap3A_37 : vector<16xf32> to vector<16xf32>
      %swap3A_39 = vector.shape_cast %add3A_35 : vector<16xf32> to vector<16xf32>
      tpu.vector_store %arg9[%swap3A_36], %swap3A_39 {strides = array<i32>} : memref<128xf32, #tpu.memory_space<vmem>>, vector<16xf32>,
      %broadcast_in_dim3A_40 = arith.constant 2 : i32
      %broadcast_in_dim3A_41 = vector.broadcast %broadcast_in_dim3A_40 : i32 to vector<16xi32>
      %eq3A_42 = arith.cmpi eq, %get3A_10, %broadcast_in_dim3A_41 : vector<16xi32>
      %select_n3A_43 = arith.select %eq3A_42, %get3A_16, %broadcast_in_dim3A_20 : vector<16xi1>, vector<16xf32>
      %eq3A_44 = arith.cmpi eq, %get3A_13, %broadcast_in_dim3A_41 : vector<16xi32>
      %select_n3A_45 = arith.select %eq3A_44, %get3A_19, %broadcast_in_dim3A_20 : vector<16xi1>, vector<16xf32>
      %add3A_46 = arith.addf %select_n3A_43, %select_n3A_45 : vector<16xf32>
      %swap3A_47 = arith.constant 32 : index
      %swap3A_48 = tpu.vector_load %arg9[%swap3A_47] {strides = array<i32>} : memref<128xf32, #tpu.memory_space<vmem>>, vector<16xf32>,
      %swap3A_49 = vector.shape_cast %swap3A_48 : vector<16xf32> to vector<16xf32>
      %swap3A_50 = vector.shape_cast %add3A_46 : vector<16xf32> to vector<16xf32>
      tpu.vector_store %arg9[%swap3A_47], %swap3A_50 {strides = array<i32>} : memref<128xf32, #tpu.memory_space<vmem>>, vector<16xf32>,
      %broadcast_in_dim3A_51 = arith.constant 3 : i32
      %broadcast_in_dim3A_52 = vector.broadcast %broadcast_in_dim3A_51 : i32 to vector<16xi32>
      %eq3A_53 = arith.cmpi eq, %get3A_10, %broadcast_in_dim3A_52 : vector<16xi32>
      %select_n3A_54 = arith.select %eq3A_53, %get3A_16, %broadcast_in_dim3A_20 : vector<16xi1>, vector<16xf32>
      %eq3A_55 = arith.cmpi eq, %get3A_13, %broadcast_in_dim3A_52 : vector<16xi32>
      %select_n3A_56 = arith.select %eq3A_55, %get3A_19, %broadcast_in_dim3A_20 : vector<16xi1>, vector<16xf32>
      %add3A_57 = arith.addf %select_n3A_54, %select_n3A_56 : vector<16xf32>
      %swap3A_58 = arith.constant 48 : index
      %swap3A_59 = tpu.vector_load %arg9[%swap3A_58] {strides = array<i32>} : memref<128xf32, #tpu.memory_space<vmem>>, vector<16xf32>,
      %swap3A_60 = vector.shape_cast %swap3A_59 : vector<16xf32> to vector<16xf32>
      %swap3A_61 = vector.shape_cast %add3A_57 : vector<16xf32> to vector<16xf32>
      tpu.vector_store %arg9[%swap3A_58], %swap3A_61 {strides = array<i32>} : memref<128xf32, #tpu.memory_space<vmem>>, vector<16xf32>,
      %broadcast_in_dim3A_62 = arith.constant 4 : i32
      %broadcast_in_dim3A_63 = vector.broadcast %broadcast_in_dim3A_62 : i32 to vector<16xi32>
      %eq3A_64 = arith.cmpi eq, %get3A_10, %broadcast_in_dim3A_63 : vector<16xi32>
      %select_n3A_65 = arith.select %eq3A_64, %get3A_16, %broadcast_in_dim3A_20 : vector<16xi1>, vector<16xf32>
      %eq3A_66 = arith.cmpi eq, %get3A_13, %broadcast_in_dim3A_63 : vector<16xi32>
      %select_n3A_67 = arith.select %eq3A_66, %get3A_19, %broadcast_in_dim3A_20 : vector<16xi1>, vector<16xf32>
      %add3A_68 = arith.addf %select_n3A_65, %select_n3A_67 : vector<16xf32>
      %swap3A_69 = arith.constant 64 : index
      %swap3A_70 = tpu.vector_load %arg9[%swap3A_69] {strides = array<i32>} : memref<128xf32, #tpu.memory_space<vmem>>, vector<16xf32>,
      %swap3A_71 = vector.shape_cast %swap3A_70 : vector<16xf32> to vector<16xf32>
      %swap3A_72 = vector.shape_cast %add3A_68 : vector<16xf32> to vector<16xf32>
      tpu.vector_store %arg9[%swap3A_69], %swap3A_72 {strides = array<i32>} : memref<128xf32, #tpu.memory_space<vmem>>, vector<16xf32>,
      %broadcast_in_dim3A_73 = arith.constant 5 : i32
      %broadcast_in_dim3A_74 = vector.broadcast %broadcast_in_dim3A_73 : i32 to vector<16xi32>
      %eq3A_75 = arith.cmpi eq, %get3A_10, %broadcast_in_dim3A_74 : vector<16xi32>
      %select_n3A_76 = arith.select %eq3A_75, %get3A_16, %broadcast_in_dim3A_20 : vector<16xi1>, vector<16xf32>
      %eq3A_77 = arith.cmpi eq, %get3A_13, %broadcast_in_dim3A_74 : vector<16xi32>
      %select_n3A_78 = arith.select %eq3A_77, %get3A_19, %broadcast_in_dim3A_20 : vector<16xi1>, vector<16xf32>
      %add3A_79 = arith.addf %select_n3A_76, %select_n3A_78 : vector<16xf32>
      %swap3A_80 = arith.constant 80 : index
      %swap3A_81 = tpu.vector_load %arg9[%swap3A_80] {strides = array<i32>} : memref<128xf32, #tpu.memory_space<vmem>>, vector<16xf32>,
      %swap3A_82 = vector.shape_cast %swap3A_81 : vector<16xf32> to vector<16xf32>
      %swap3A_83 = vector.shape_cast %add3A_79 : vector<16xf32> to vector<16xf32>
      tpu.vector_store %arg9[%swap3A_80], %swap3A_83 {strides = array<i32>} : memref<128xf32, #tpu.memory_space<vmem>>, vector<16xf32>,
      %broadcast_in_dim3A_84 = arith.constant 6 : i32
      %broadcast_in_dim3A_85 = vector.broadcast %broadcast_in_dim3A_84 : i32 to vector<16xi32>
      %eq3A_86 = arith.cmpi eq, %get3A_10, %broadcast_in_dim3A_85 : vector<16xi32>
      %select_n3A_87 = arith.select %eq3A_86, %get3A_16, %broadcast_in_dim3A_20 : vector<16xi1>, vector<16xf32>
      %eq3A_88 = arith.cmpi eq, %get3A_13, %broadcast_in_dim3A_85 : vector<16xi32>
      %select_n3A_89 = arith.select %eq3A_88, %get3A_19, %broadcast_in_dim3A_20 : vector<16xi1>, vector<16xf32>
      %add3A_90 = arith.addf %select_n3A_87, %select_n3A_89 : vector<16xf32>
      %swap3A_91 = arith.constant 96 : index
      %swap3A_92 = tpu.vector_load %arg9[%swap3A_91] {strides = array<i32>} : memref<128xf32, #tpu.memory_space<vmem>>, vector<16xf32>,
      %swap3A_93 = vector.shape_cast %swap3A_92 : vector<16xf32> to vector<16xf32>
      %swap3A_94 = vector.shape_cast %add3A_90 : vector<16xf32> to vector<16xf32>
      tpu.vector_store %arg9[%swap3A_91], %swap3A_94 {strides = array<i32>} : memref<128xf32, #tpu.memory_space<vmem>>, vector<16xf32>,
      %broadcast_in_dim3A_95 = arith.constant 7 : i32
      %broadcast_in_dim3A_96 = vector.broadcast %broadcast_in_dim3A_95 : i32 to vector<16xi32>
      %eq3A_97 = arith.cmpi eq, %get3A_10, %broadcast_in_dim3A_96 : vector<16xi32>
      %select_n3A_98 = arith.select %eq3A_97, %get3A_16, %broadcast_in_dim3A_20 : vector<16xi1>, vector<16xf32>
      %eq3A_99 = arith.cmpi eq, %get3A_13, %broadcast_in_dim3A_96 : vector<16xi32>
      %select_n3A_100 = arith.select %eq3A_99, %get3A_19, %broadcast_in_dim3A_20 : vector<16xi1>, vector<16xf32>
      %add3A_101 = arith.addf %select_n3A_98, %select_n3A_100 : vector<16xf32>
      %swap3A_102 = arith.constant 112 : index
      %swap3A_103 = tpu.vector_load %arg9[%swap3A_102] {strides = array<i32>} : memref<128xf32, #tpu.memory_space<vmem>>, vector<16xf32>,
      %swap3A_104 = vector.shape_cast %swap3A_103 : vector<16xf32> to vector<16xf32>
      %swap3A_105 = vector.shape_cast %add3A_101 : vector<16xf32> to vector<16xf32>
      tpu.vector_store %arg9[%swap3A_102], %swap3A_105 {strides = array<i32>} : memref<128xf32, #tpu.memory_space<vmem>>, vector<16xf32>,
      %add3A_106 = arith.constant 0 : i32
      %add3A_107 = arith.addi %add3A_106, %mul3A_4 : i32
      "tpu.region"() ({
        %run_scoped3A = tpu.sem_alloc : memref<!tpu.dma_semaphore, #tpu.memory_space<semaphore_mem>>
        %dma_start3A = arith.constant 0 : i32
        %dma_start3A_122 = tpu.memref_slice %arg9[%dma_start3A] : memref<128xf32, #tpu.memory_space<vmem>> -> memref<16xf32, #tpu.memory_space<vmem>>
        %dma_start3A_123 = tpu.memref_slice %arg4[%add3A_107] : memref<2048xf32, #tpu.memory_space<hbm>> -> memref<16xf32, #tpu.memory_space<hbm>>
        %dma_start3A_124 = tpu.memref_slice %arg4[%add3A_107] : memref<2048xf32, #tpu.memory_space<hbm>> -> memref<16xf32, #tpu.memory_space<hbm>>
        %dma_start3A_125 = arith.constant 0 : i32
        %dma_start3A_126 = tpu.memref_slice %arg9[%dma_start3A_125] : memref<128xf32, #tpu.memory_space<vmem>> -> memref<16xf32, #tpu.memory_space<vmem>>
        tpu.enqueue_dma source(%dma_start3A_126 : memref<16xf32, #tpu.memory_space<vmem>>) target(%dma_start3A_124 : memref<16xf32, #tpu.memory_space<hbm>>) target_semaphore(%run_scoped3A : memref<!tpu.dma_semaphore, #tpu.memory_space<semaphore_mem>>)
        %dma_wait3A = arith.constant 0 : i32
        %dma_wait3A_127 = tpu.memref_slice %arg9[%dma_wait3A] : memref<128xf32, #tpu.memory_space<vmem>> -> memref<16xf32, #tpu.memory_space<vmem>>
        %dma_wait3A_128 = tpu.memref_slice %arg4[%add3A_107] : memref<2048xf32, #tpu.memory_space<hbm>> -> memref<16xf32, #tpu.memory_space<hbm>>
        %dma_wait3A_129 = tpu.memref_slice %arg4[%add3A_107] : memref<2048xf32, #tpu.memory_space<hbm>> -> memref<16xf32, #tpu.memory_space<hbm>>
        %dma_wait3A_130 = arith.constant 0 : i32
        %dma_wait3A_131 = tpu.memref_slice %arg9[%dma_wait3A_130] : memref<128xf32, #tpu.memory_space<vmem>> -> memref<16xf32, #tpu.memory_space<vmem>>
        tpu.wait_dma2 semaphore(%run_scoped3A : memref<!tpu.dma_semaphore, #tpu.memory_space<semaphore_mem>>) src(%dma_wait3A_131 : memref<16xf32, #tpu.memory_space<vmem>>) dst(%dma_wait3A_129 : memref<16xf32, #tpu.memory_space<hbm>>)
        tpu.yield
      }) : () -> ()
      %add3A_108 = arith.constant 256 : i32
      %add3A_109 = arith.addi %add3A_108, %mul3A_4 : i32
      "tpu.region"() ({
        %run_scoped3A = tpu.sem_alloc : memref<!tpu.dma_semaphore, #tpu.memory_space<semaphore_mem>>
        %dma_start3A = arith.constant 16 : i32
        %dma_start3A_122 = tpu.memref_slice %arg9[%dma_start3A] : memref<128xf32, #tpu.memory_space<vmem>> -> memref<16xf32, #tpu.memory_space<vmem>>
        %dma_start3A_123 = tpu.memref_slice %arg4[%add3A_109] : memref<2048xf32, #tpu.memory_space<hbm>> -> memref<16xf32, #tpu.memory_space<hbm>>
        %dma_start3A_124 = tpu.memref_slice %arg4[%add3A_109] : memref<2048xf32, #tpu.memory_space<hbm>> -> memref<16xf32, #tpu.memory_space<hbm>>
        %dma_start3A_125 = arith.constant 16 : i32
        %dma_start3A_126 = tpu.memref_slice %arg9[%dma_start3A_125] : memref<128xf32, #tpu.memory_space<vmem>> -> memref<16xf32, #tpu.memory_space<vmem>>
        tpu.enqueue_dma source(%dma_start3A_126 : memref<16xf32, #tpu.memory_space<vmem>>) target(%dma_start3A_124 : memref<16xf32, #tpu.memory_space<hbm>>) target_semaphore(%run_scoped3A : memref<!tpu.dma_semaphore, #tpu.memory_space<semaphore_mem>>)
        %dma_wait3A = arith.constant 16 : i32
        %dma_wait3A_127 = tpu.memref_slice %arg9[%dma_wait3A] : memref<128xf32, #tpu.memory_space<vmem>> -> memref<16xf32, #tpu.memory_space<vmem>>
        %dma_wait3A_128 = tpu.memref_slice %arg4[%add3A_109] : memref<2048xf32, #tpu.memory_space<hbm>> -> memref<16xf32, #tpu.memory_space<hbm>>
        %dma_wait3A_129 = tpu.memref_slice %arg4[%add3A_109] : memref<2048xf32, #tpu.memory_space<hbm>> -> memref<16xf32, #tpu.memory_space<hbm>>
        %dma_wait3A_130 = arith.constant 16 : i32
        %dma_wait3A_131 = tpu.memref_slice %arg9[%dma_wait3A_130] : memref<128xf32, #tpu.memory_space<vmem>> -> memref<16xf32, #tpu.memory_space<vmem>>
        tpu.wait_dma2 semaphore(%run_scoped3A : memref<!tpu.dma_semaphore, #tpu.memory_space<semaphore_mem>>) src(%dma_wait3A_131 : memref<16xf32, #tpu.memory_space<vmem>>) dst(%dma_wait3A_129 : memref<16xf32, #tpu.memory_space<hbm>>)
        tpu.yield
      }) : () -> ()
      %add3A_110 = arith.constant 512 : i32
      %add3A_111 = arith.addi %add3A_110, %mul3A_4 : i32
      "tpu.region"() ({
        %run_scoped3A = tpu.sem_alloc : memref<!tpu.dma_semaphore, #tpu.memory_space<semaphore_mem>>
        %dma_start3A = arith.constant 32 : i32
        %dma_start3A_122 = tpu.memref_slice %arg9[%dma_start3A] : memref<128xf32, #tpu.memory_space<vmem>> -> memref<16xf32, #tpu.memory_space<vmem>>
        %dma_start3A_123 = tpu.memref_slice %arg4[%add3A_111] : memref<2048xf32, #tpu.memory_space<hbm>> -> memref<16xf32, #tpu.memory_space<hbm>>
        %dma_start3A_124 = tpu.memref_slice %arg4[%add3A_111] : memref<2048xf32, #tpu.memory_space<hbm>> -> memref<16xf32, #tpu.memory_space<hbm>>
        %dma_start3A_125 = arith.constant 32 : i32
        %dma_start3A_126 = tpu.memref_slice %arg9[%dma_start3A_125] : memref<128xf32, #tpu.memory_space<vmem>> -> memref<16xf32, #tpu.memory_space<vmem>>
        tpu.enqueue_dma source(%dma_start3A_126 : memref<16xf32, #tpu.memory_space<vmem>>) target(%dma_start3A_124 : memref<16xf32, #tpu.memory_space<hbm>>) target_semaphore(%run_scoped3A : memref<!tpu.dma_semaphore, #tpu.memory_space<semaphore_mem>>)
        %dma_wait3A = arith.constant 32 : i32
        %dma_wait3A_127 = tpu.memref_slice %arg9[%dma_wait3A] : memref<128xf32, #tpu.memory_space<vmem>> -> memref<16xf32, #tpu.memory_space<vmem>>
        %dma_wait3A_128 = tpu.memref_slice %arg4[%add3A_111] : memref<2048xf32, #tpu.memory_space<hbm>> -> memref<16xf32, #tpu.memory_space<hbm>>
        %dma_wait3A_129 = tpu.memref_slice %arg4[%add3A_111] : memref<2048xf32, #tpu.memory_space<hbm>> -> memref<16xf32, #tpu.memory_space<hbm>>
        %dma_wait3A_130 = arith.constant 32 : i32
        %dma_wait3A_131 = tpu.memref_slice %arg9[%dma_wait3A_130] : memref<128xf32, #tpu.memory_space<vmem>> -> memref<16xf32, #tpu.memory_space<vmem>>
        tpu.wait_dma2 semaphore(%run_scoped3A : memref<!tpu.dma_semaphore, #tpu.memory_space<semaphore_mem>>) src(%dma_wait3A_131 : memref<16xf32, #tpu.memory_space<vmem>>) dst(%dma_wait3A_129 : memref<16xf32, #tpu.memory_space<hbm>>)
        tpu.yield
      }) : () -> ()
      %add3A_112 = arith.constant 768 : i32
      %add3A_113 = arith.addi %add3A_112, %mul3A_4 : i32
      "tpu.region"() ({
        %run_scoped3A = tpu.sem_alloc : memref<!tpu.dma_semaphore, #tpu.memory_space<semaphore_mem>>
        %dma_start3A = arith.constant 48 : i32
        %dma_start3A_122 = tpu.memref_slice %arg9[%dma_start3A] : memref<128xf32, #tpu.memory_space<vmem>> -> memref<16xf32, #tpu.memory_space<vmem>>
        %dma_start3A_123 = tpu.memref_slice %arg4[%add3A_113] : memref<2048xf32, #tpu.memory_space<hbm>> -> memref<16xf32, #tpu.memory_space<hbm>>
        %dma_start3A_124 = tpu.memref_slice %arg4[%add3A_113] : memref<2048xf32, #tpu.memory_space<hbm>> -> memref<16xf32, #tpu.memory_space<hbm>>
        %dma_start3A_125 = arith.constant 48 : i32
        %dma_start3A_126 = tpu.memref_slice %arg9[%dma_start3A_125] : memref<128xf32, #tpu.memory_space<vmem>> -> memref<16xf32, #tpu.memory_space<vmem>>
        tpu.enqueue_dma source(%dma_start3A_126 : memref<16xf32, #tpu.memory_space<vmem>>) target(%dma_start3A_124 : memref<16xf32, #tpu.memory_space<hbm>>) target_semaphore(%run_scoped3A : memref<!tpu.dma_semaphore, #tpu.memory_space<semaphore_mem>>)
        %dma_wait3A = arith.constant 48 : i32
        %dma_wait3A_127 = tpu.memref_slice %arg9[%dma_wait3A] : memref<128xf32, #tpu.memory_space<vmem>> -> memref<16xf32, #tpu.memory_space<vmem>>
        %dma_wait3A_128 = tpu.memref_slice %arg4[%add3A_113] : memref<2048xf32, #tpu.memory_space<hbm>> -> memref<16xf32, #tpu.memory_space<hbm>>
        %dma_wait3A_129 = tpu.memref_slice %arg4[%add3A_113] : memref<2048xf32, #tpu.memory_space<hbm>> -> memref<16xf32, #tpu.memory_space<hbm>>
        %dma_wait3A_130 = arith.constant 48 : i32
        %dma_wait3A_131 = tpu.memref_slice %arg9[%dma_wait3A_130] : memref<128xf32, #tpu.memory_space<vmem>> -> memref<16xf32, #tpu.memory_space<vmem>>
        tpu.wait_dma2 semaphore(%run_scoped3A : memref<!tpu.dma_semaphore, #tpu.memory_space<semaphore_mem>>) src(%dma_wait3A_131 : memref<16xf32, #tpu.memory_space<vmem>>) dst(%dma_wait3A_129 : memref<16xf32, #tpu.memory_space<hbm>>)
        tpu.yield
      }) : () -> ()
      %add3A_114 = arith.constant 1024 : i32
      %add3A_115 = arith.addi %add3A_114, %mul3A_4 : i32
      "tpu.region"() ({
        %run_scoped3A = tpu.sem_alloc : memref<!tpu.dma_semaphore, #tpu.memory_space<semaphore_mem>>
        %dma_start3A = arith.constant 64 : i32
        %dma_start3A_122 = tpu.memref_slice %arg9[%dma_start3A] : memref<128xf32, #tpu.memory_space<vmem>> -> memref<16xf32, #tpu.memory_space<vmem>>
        %dma_start3A_123 = tpu.memref_slice %arg4[%add3A_115] : memref<2048xf32, #tpu.memory_space<hbm>> -> memref<16xf32, #tpu.memory_space<hbm>>
        %dma_start3A_124 = tpu.memref_slice %arg4[%add3A_115] : memref<2048xf32, #tpu.memory_space<hbm>> -> memref<16xf32, #tpu.memory_space<hbm>>
        %dma_start3A_125 = arith.constant 64 : i32
        %dma_start3A_126 = tpu.memref_slice %arg9[%dma_start3A_125] : memref<128xf32, #tpu.memory_space<vmem>> -> memref<16xf32, #tpu.memory_space<vmem>>
        tpu.enqueue_dma source(%dma_start3A_126 : memref<16xf32, #tpu.memory_space<vmem>>) target(%dma_start3A_124 : memref<16xf32, #tpu.memory_space<hbm>>) target_semaphore(%run_scoped3A : memref<!tpu.dma_semaphore, #tpu.memory_space<semaphore_mem>>)
        %dma_wait3A = arith.constant 64 : i32
        %dma_wait3A_127 = tpu.memref_slice %arg9[%dma_wait3A] : memref<128xf32, #tpu.memory_space<vmem>> -> memref<16xf32, #tpu.memory_space<vmem>>
        %dma_wait3A_128 = tpu.memref_slice %arg4[%add3A_115] : memref<2048xf32, #tpu.memory_space<hbm>> -> memref<16xf32, #tpu.memory_space<hbm>>
        %dma_wait3A_129 = tpu.memref_slice %arg4[%add3A_115] : memref<2048xf32, #tpu.memory_space<hbm>> -> memref<16xf32, #tpu.memory_space<hbm>>
        %dma_wait3A_130 = arith.constant 64 : i32
        %dma_wait3A_131 = tpu.memref_slice %arg9[%dma_wait3A_130] : memref<128xf32, #tpu.memory_space<vmem>> -> memref<16xf32, #tpu.memory_space<vmem>>
        tpu.wait_dma2 semaphore(%run_scoped3A : memref<!tpu.dma_semaphore, #tpu.memory_space<semaphore_mem>>) src(%dma_wait3A_131 : memref<16xf32, #tpu.memory_space<vmem>>) dst(%dma_wait3A_129 : memref<16xf32, #tpu.memory_space<hbm>>)
        tpu.yield
      }) : () -> ()
      %add3A_116 = arith.constant 1280 : i32
      %add3A_117 = arith.addi %add3A_116, %mul3A_4 : i32
      "tpu.region"() ({
        %run_scoped3A = tpu.sem_alloc : memref<!tpu.dma_semaphore, #tpu.memory_space<semaphore_mem>>
        %dma_start3A = arith.constant 80 : i32
        %dma_start3A_122 = tpu.memref_slice %arg9[%dma_start3A] : memref<128xf32, #tpu.memory_space<vmem>> -> memref<16xf32, #tpu.memory_space<vmem>>
        %dma_start3A_123 = tpu.memref_slice %arg4[%add3A_117] : memref<2048xf32, #tpu.memory_space<hbm>> -> memref<16xf32, #tpu.memory_space<hbm>>
        %dma_start3A_124 = tpu.memref_slice %arg4[%add3A_117] : memref<2048xf32, #tpu.memory_space<hbm>> -> memref<16xf32, #tpu.memory_space<hbm>>
        %dma_start3A_125 = arith.constant 80 : i32
        %dma_start3A_126 = tpu.memref_slice %arg9[%dma_start3A_125] : memref<128xf32, #tpu.memory_space<vmem>> -> memref<16xf32, #tpu.memory_space<vmem>>
        tpu.enqueue_dma source(%dma_start3A_126 : memref<16xf32, #tpu.memory_space<vmem>>) target(%dma_start3A_124 : memref<16xf32, #tpu.memory_space<hbm>>) target_semaphore(%run_scoped3A : memref<!tpu.dma_semaphore, #tpu.memory_space<semaphore_mem>>)
        %dma_wait3A = arith.constant 80 : i32
        %dma_wait3A_127 = tpu.memref_slice %arg9[%dma_wait3A] : memref<128xf32, #tpu.memory_space<vmem>> -> memref<16xf32, #tpu.memory_space<vmem>>
        %dma_wait3A_128 = tpu.memref_slice %arg4[%add3A_117] : memref<2048xf32, #tpu.memory_space<hbm>> -> memref<16xf32, #tpu.memory_space<hbm>>
        %dma_wait3A_129 = tpu.memref_slice %arg4[%add3A_117] : memref<2048xf32, #tpu.memory_space<hbm>> -> memref<16xf32, #tpu.memory_space<hbm>>
        %dma_wait3A_130 = arith.constant 80 : i32
        %dma_wait3A_131 = tpu.memref_slice %arg9[%dma_wait3A_130] : memref<128xf32, #tpu.memory_space<vmem>> -> memref<16xf32, #tpu.memory_space<vmem>>
        tpu.wait_dma2 semaphore(%run_scoped3A : memref<!tpu.dma_semaphore, #tpu.memory_space<semaphore_mem>>) src(%dma_wait3A_131 : memref<16xf32, #tpu.memory_space<vmem>>) dst(%dma_wait3A_129 : memref<16xf32, #tpu.memory_space<hbm>>)
        tpu.yield
      }) : () -> ()
      %add3A_118 = arith.constant 1536 : i32
      %add3A_119 = arith.addi %add3A_118, %mul3A_4 : i32
      "tpu.region"() ({
        %run_scoped3A = tpu.sem_alloc : memref<!tpu.dma_semaphore, #tpu.memory_space<semaphore_mem>>
        %dma_start3A = arith.constant 96 : i32
        %dma_start3A_122 = tpu.memref_slice %arg9[%dma_start3A] : memref<128xf32, #tpu.memory_space<vmem>> -> memref<16xf32, #tpu.memory_space<vmem>>
        %dma_start3A_123 = tpu.memref_slice %arg4[%add3A_119] : memref<2048xf32, #tpu.memory_space<hbm>> -> memref<16xf32, #tpu.memory_space<hbm>>
        %dma_start3A_124 = tpu.memref_slice %arg4[%add3A_119] : memref<2048xf32, #tpu.memory_space<hbm>> -> memref<16xf32, #tpu.memory_space<hbm>>
        %dma_start3A_125 = arith.constant 96 : i32
        %dma_start3A_126 = tpu.memref_slice %arg9[%dma_start3A_125] : memref<128xf32, #tpu.memory_space<vmem>> -> memref<16xf32, #tpu.memory_space<vmem>>
        tpu.enqueue_dma source(%dma_start3A_126 : memref<16xf32, #tpu.memory_space<vmem>>) target(%dma_start3A_124 : memref<16xf32, #tpu.memory_space<hbm>>) target_semaphore(%run_scoped3A : memref<!tpu.dma_semaphore, #tpu.memory_space<semaphore_mem>>)
        %dma_wait3A = arith.constant 96 : i32
        %dma_wait3A_127 = tpu.memref_slice %arg9[%dma_wait3A] : memref<128xf32, #tpu.memory_space<vmem>> -> memref<16xf32, #tpu.memory_space<vmem>>
        %dma_wait3A_128 = tpu.memref_slice %arg4[%add3A_119] : memref<2048xf32, #tpu.memory_space<hbm>> -> memref<16xf32, #tpu.memory_space<hbm>>
        %dma_wait3A_129 = tpu.memref_slice %arg4[%add3A_119] : memref<2048xf32, #tpu.memory_space<hbm>> -> memref<16xf32, #tpu.memory_space<hbm>>
        %dma_wait3A_130 = arith.constant 96 : i32
        %dma_wait3A_131 = tpu.memref_slice %arg9[%dma_wait3A_130] : memref<128xf32, #tpu.memory_space<vmem>> -> memref<16xf32, #tpu.memory_space<vmem>>
        tpu.wait_dma2 semaphore(%run_scoped3A : memref<!tpu.dma_semaphore, #tpu.memory_space<semaphore_mem>>) src(%dma_wait3A_131 : memref<16xf32, #tpu.memory_space<vmem>>) dst(%dma_wait3A_129 : memref<16xf32, #tpu.memory_space<hbm>>)
        tpu.yield
      }) : () -> ()
      %add3A_120 = arith.constant 1792 : i32
      %add3A_121 = arith.addi %add3A_120, %mul3A_4 : i32
      "tpu.region"() ({
        %run_scoped3A = tpu.sem_alloc : memref<!tpu.dma_semaphore, #tpu.memory_space<semaphore_mem>>
        %dma_start3A = arith.constant 112 : i32
        %dma_start3A_122 = tpu.memref_slice %arg9[%dma_start3A] : memref<128xf32, #tpu.memory_space<vmem>> -> memref<16xf32, #tpu.memory_space<vmem>>
        %dma_start3A_123 = tpu.memref_slice %arg4[%add3A_121] : memref<2048xf32, #tpu.memory_space<hbm>> -> memref<16xf32, #tpu.memory_space<hbm>>
        %dma_start3A_124 = tpu.memref_slice %arg4[%add3A_121] : memref<2048xf32, #tpu.memory_space<hbm>> -> memref<16xf32, #tpu.memory_space<hbm>>
        %dma_start3A_125 = arith.constant 112 : i32
        %dma_start3A_126 = tpu.memref_slice %arg9[%dma_start3A_125] : memref<128xf32, #tpu.memory_space<vmem>> -> memref<16xf32, #tpu.memory_space<vmem>>
        tpu.enqueue_dma source(%dma_start3A_126 : memref<16xf32, #tpu.memory_space<vmem>>) target(%dma_start3A_124 : memref<16xf32, #tpu.memory_space<hbm>>) target_semaphore(%run_scoped3A : memref<!tpu.dma_semaphore, #tpu.memory_space<semaphore_mem>>)
        %dma_wait3A = arith.constant 112 : i32
        %dma_wait3A_127 = tpu.memref_slice %arg9[%dma_wait3A] : memref<128xf32, #tpu.memory_space<vmem>> -> memref<16xf32, #tpu.memory_space<vmem>>
        %dma_wait3A_128 = tpu.memref_slice %arg4[%add3A_121] : memref<2048xf32, #tpu.memory_space<hbm>> -> memref<16xf32, #tpu.memory_space<hbm>>
        %dma_wait3A_129 = tpu.memref_slice %arg4[%add3A_121] : memref<2048xf32, #tpu.memory_space<hbm>> -> memref<16xf32, #tpu.memory_space<hbm>>
        %dma_wait3A_130 = arith.constant 112 : i32
        %dma_wait3A_131 = tpu.memref_slice %arg9[%dma_wait3A_130] : memref<128xf32, #tpu.memory_space<vmem>> -> memref<16xf32, #tpu.memory_space<vmem>>
        tpu.wait_dma2 semaphore(%run_scoped3A : memref<!tpu.dma_semaphore, #tpu.memory_space<semaphore_mem>>) src(%dma_wait3A_131 : memref<16xf32, #tpu.memory_space<vmem>>) dst(%dma_wait3A_129 : memref<16xf32, #tpu.memory_space<hbm>>)
        tpu.yield
      }) : () -> ()
    } else {
    }
    return
  }
}

module attributes {stable_mosaic.version = 14 : i64} {
  func.func @_moe_kernel(%arg0: i32, %arg1: i32, %arg2: memref<256x1024xf32, #tpu.memory_space<vmem>>, %arg3: memref<1x1024x1024xf32, #tpu.memory_space<vmem>>, %arg4: memref<1x1024x1024xf32, #tpu.memory_space<vmem>>, %arg5: memref<1x1024x1024xf32, #tpu.memory_space<vmem>>, %arg6: memref<256x8xf32, #tpu.memory_space<vmem>>, %arg7: memref<256x1024xf32, #tpu.memory_space<vmem>>) attributes {dimension_semantics = [#tpu.dimension_semantics<arbitrary>, #tpu.dimension_semantics<arbitrary>], iteration_bounds = array<i64: 8, 2>, scalar_prefetch = 0 : i64, scratch_operands = 0 : i64, tpu.core_type = #tpu.core_type<tc>, window_params = [{pipeline_mode = #tpu.pipeline_mode<synchronous>, transform_indices = @transform_0, window_bounds = array<i64: 256, 1024>}, {transform_indices = @transform_1, window_bounds = array<i64: 1, 1024, 1024>}, {transform_indices = @transform_2, window_bounds = array<i64: 1, 1024, 1024>}, {transform_indices = @transform_3, window_bounds = array<i64: 1, 1024, 1024>}, {pipeline_mode = #tpu.pipeline_mode<synchronous>, transform_indices = @transform_4, window_bounds = array<i64: 256, 8>}, {pipeline_mode = #tpu.pipeline_mode<synchronous>, transform_indices = @transform_5, window_bounds = array<i64: 256, 1024>}]} {
    %eq3A = arith.constant 0 : i32
    %eq3A_0 = arith.cmpi eq, %arg0, %eq3A : i32
    %eq3A_1 = arith.constant 0 : i32
    %eq3A_2 = arith.cmpi eq, %arg1, %eq3A_1 : i32
    %and3A = arith.andi %eq3A_0, %eq3A_2 : i1
    %convert_element_type3A = arith.extui %and3A : i1 to i32
    %cond3A = arith.constant 0 : i32
    %cond3A_3 = arith.cmpi ne, %convert_element_type3A, %cond3A : i32
    scf.if %cond3A_3 {
      %broadcast_in_dim3A_51 = arith.constant 0.000000e+00 : f32
      %broadcast_in_dim3A_52 = vector.broadcast %broadcast_in_dim3A_51 : f32 to vector<256x1024xf32>
      %swap3A_53 = arith.constant 0 : index
      %swap3A_54 = arith.constant 0 : index
      %swap3A_55 = vector.load %arg7[%swap3A_53, %swap3A_54] : memref<256x1024xf32, #tpu.memory_space<vmem>>, vector<256x1024xf32>
      tpu.vector_store %arg7[%swap3A_53, %swap3A_54], %broadcast_in_dim3A_52 {strides = array<i32>} : memref<256x1024xf32, #tpu.memory_space<vmem>>, vector<256x1024xf32>,
    } else {
    }
    %get3A = arith.constant 0 : index
    %get3A_4 = arith.constant 0 : index
    %get3A_5 = vector.load %arg2[%get3A, %get3A_4] : memref<256x1024xf32, #tpu.memory_space<vmem>>, vector<256x1024xf32>
    %convert_element_type3A_6 = arith.truncf %get3A_5 : vector<256x1024xf32> to vector<256x1024xbf16>
    %get3A_7 = arith.constant 0 : index
    %get3A_8 = arith.constant 0 : index
    %get3A_9 = arith.constant 0 : index
    %get3A_10 = vector.load %arg3[%get3A_7, %get3A_8, %get3A_9] : memref<1x1024x1024xf32, #tpu.memory_space<vmem>>, vector<1x1024x1024xf32>
    %get3A_11 = vector.shape_cast %get3A_10 : vector<1x1024x1024xf32> to vector<1024x1024xf32>
    %convert_element_type3A_12 = arith.truncf %get3A_11 : vector<1024x1024xf32> to vector<1024x1024xbf16>
    %get3A_13 = arith.constant 0 : index
    %get3A_14 = arith.constant 0 : index
    %get3A_15 = arith.constant 0 : index
    %get3A_16 = vector.load %arg4[%get3A_13, %get3A_14, %get3A_15] : memref<1x1024x1024xf32, #tpu.memory_space<vmem>>, vector<1x1024x1024xf32>
    %get3A_17 = vector.shape_cast %get3A_16 : vector<1x1024x1024xf32> to vector<1024x1024xf32>
    %convert_element_type3A_18 = arith.truncf %get3A_17 : vector<1024x1024xf32> to vector<1024x1024xbf16>
    %get3A_19 = arith.constant 0 : index
    %get3A_20 = arith.constant 0 : index
    %get3A_21 = arith.constant 0 : index
    %get3A_22 = vector.load %arg5[%get3A_19, %get3A_20, %get3A_21] : memref<1x1024x1024xf32, #tpu.memory_space<vmem>>, vector<1x1024x1024xf32>
    %get3A_23 = vector.shape_cast %get3A_22 : vector<1x1024x1024xf32> to vector<1024x1024xf32>
    %convert_element_type3A_24 = arith.truncf %get3A_23 : vector<1024x1024xf32> to vector<1024x1024xbf16>
    %dot_general3A = arith.constant dense<0.000000e+00> : vector<256x1024xf32>
    %dot_general3A_25 = tpu.matmul %convert_element_type3A_6, %convert_element_type3A_12, %dot_general3A {dimension_numbers = #tpu.dot_dimension_numbers<[1], [1], [0], [0], [0, 0, 1, 0], [], []>, transpose_lhs_hint = false} : vector<256x1024xbf16>, vector<1024x1024xbf16>, vector<256x1024xf32> -> vector<256x1024xf32>
    %dot_general3A_26 = arith.constant dense<0.000000e+00> : vector<256x1024xf32>
    %dot_general3A_27 = tpu.matmul %convert_element_type3A_6, %convert_element_type3A_18, %dot_general3A_26 {dimension_numbers = #tpu.dot_dimension_numbers<[1], [1], [0], [0], [0, 0, 1, 0], [], []>, transpose_lhs_hint = false} : vector<256x1024xbf16>, vector<1024x1024xbf16>, vector<256x1024xf32> -> vector<256x1024xf32>
    %logistic3A = arith.negf %dot_general3A_25 : vector<256x1024xf32>
    %logistic3A_28 = math.exp %logistic3A : vector<256x1024xf32>
    %logistic3A_29 = arith.constant 1.000000e+00 : f32
    %logistic3A_30 = vector.broadcast %logistic3A_29 : f32 to vector<256x1024xf32>
    %logistic3A_31 = arith.addf %logistic3A_30, %logistic3A_28 : vector<256x1024xf32>
    %logistic3A_32 = arith.divf %logistic3A_30, %logistic3A_31 : vector<256x1024xf32>
    %mul3A = arith.mulf %dot_general3A_25, %logistic3A_32 : vector<256x1024xf32>
    %mul3A_33 = arith.mulf %mul3A, %dot_general3A_27 : vector<256x1024xf32>
    %convert_element_type3A_34 = arith.truncf %mul3A_33 : vector<256x1024xf32> to vector<256x1024xbf16>
    %dot_general3A_35 = arith.constant dense<0.000000e+00> : vector<256x1024xf32>
    %dot_general3A_36 = tpu.matmul %convert_element_type3A_34, %convert_element_type3A_24, %dot_general3A_35 {dimension_numbers = #tpu.dot_dimension_numbers<[1], [1], [0], [0], [0, 0, 1, 0], [], []>, transpose_lhs_hint = false} : vector<256x1024xbf16>, vector<1024x1024xbf16>, vector<256x1024xf32> -> vector<256x1024xf32>
    %get3A_37 = arith.constant 0 : index
    %get3A_38 = arith.constant 0 : index
    %get3A_39 = vector.load %arg6[%get3A_37, %get3A_38] : memref<256x8xf32, #tpu.memory_space<vmem>>, vector<256x8xf32>
    %iota3A = tpu.iota {dimensions = array<i32: 1>} : vector<256x8xi32>
    %eq3A_40 = vector.broadcast %arg0 : i32 to vector<256x8xi32>
    %eq3A_41 = arith.cmpi eq, %iota3A, %eq3A_40 : vector<256x8xi32>
    %jit3A = arith.constant 0.000000e+00 : f32
    %broadcast_in_dim3A = vector.broadcast %jit3A : f32 to vector<256x8xf32>
    %select_n3A = arith.select %eq3A_41, %get3A_39, %broadcast_in_dim3A : vector<256x8xi1>, vector<256x8xf32>
    %reduce_sum3A = arith.constant dense<0.000000e+00> : vector<256xf32>
    %reduce_sum3A_42 = vector.multi_reduction <add>, %select_n3A, %reduce_sum3A [1] : vector<256x8xf32> to vector<256xf32>
    %get3A_43 = arith.constant 0 : index
    %get3A_44 = arith.constant 0 : index
    %get3A_45 = vector.load %arg7[%get3A_43, %get3A_44] : memref<256x1024xf32, #tpu.memory_space<vmem>>, vector<256x1024xf32>
    %broadcast_in_dim3A_46 = vector.shape_cast %reduce_sum3A_42 : vector<256xf32> to vector<256x1xf32>
    %mul3A_47 = vector.broadcast %broadcast_in_dim3A_46 : vector<256x1xf32> to vector<256x1024xf32>
    %mul3A_48 = arith.mulf %mul3A_47, %dot_general3A_36 : vector<256x1024xf32>
    %add3A = arith.addf %get3A_45, %mul3A_48 : vector<256x1024xf32>
    %swap3A = arith.constant 0 : index
    %swap3A_49 = arith.constant 0 : index
    %swap3A_50 = vector.load %arg7[%swap3A, %swap3A_49] : memref<256x1024xf32, #tpu.memory_space<vmem>>, vector<256x1024xf32>
    tpu.vector_store %arg7[%swap3A, %swap3A_49], %add3A {strides = array<i32>} : memref<256x1024xf32, #tpu.memory_space<vmem>>, vector<256x1024xf32>,
    return
  }
  func.func @transform_0(%arg0: i32, %arg1: i32) -> (i32, i32) {
    %c0_i32 = arith.constant 0 : i32
    %c0_i32_0 = arith.constant 0 : i32
    %c0_i32_1 = arith.constant 0 : i32
    return %c0_i32, %c0_i32_0 : i32, i32
  }
  func.func @transform_1(%arg0: i32, %arg1: i32) -> (i32, i32, i32) {
    %c0_i32 = arith.constant 0 : i32
    %c0_i32_0 = arith.constant 0 : i32
    return %arg0, %arg1, %c0_i32 : i32, i32, i32
  }
  func.func @transform_2(%arg0: i32, %arg1: i32) -> (i32, i32, i32) {
    %add3A = arith.constant 2 : i32
    %add3A_0 = arith.addi %arg1, %add3A : i32
    %c0_i32 = arith.constant 0 : i32
    %c0_i32_1 = arith.constant 0 : i32
    return %arg0, %add3A_0, %c0_i32 : i32, i32, i32
  }
  func.func @transform_3(%arg0: i32, %arg1: i32) -> (i32, i32, i32) {
    %c0_i32 = arith.constant 0 : i32
    %c0_i32_0 = arith.constant 0 : i32
    return %arg0, %c0_i32, %arg1 : i32, i32, i32
  }
  func.func @transform_4(%arg0: i32, %arg1: i32) -> (i32, i32) {
    %c0_i32 = arith.constant 0 : i32
    %c0_i32_0 = arith.constant 0 : i32
    %c0_i32_1 = arith.constant 0 : i32
    return %c0_i32, %c0_i32_0 : i32, i32
  }
  func.func @transform_5(%arg0: i32, %arg1: i32) -> (i32, i32) {
    %c0_i32 = arith.constant 0 : i32
    %c0_i32_0 = arith.constant 0 : i32
    %c0_i32_1 = arith.constant 0 : i32
    return %c0_i32, %c0_i32_0 : i32, i32
  }
}

</mosaic_0001>

<sc_bundles>
// kernel: kernel.4.cloned.1.call-start
scs
__scs_entry_jumppad:
0x0: {  	(pc) =	sbr.rel $0x88, $3  }
0x1: {  	(tag) =	ssettag $0x0;
	lr =	simm.s32 $0x1  }
0x2: {  	[smem:$0x3F9C] =	sst lr;
	_ =	strace $0xD0000000  }
0x3: {  	_ = 	snop  }
0x4: {  	_ = 	snop  }
0x5: {  	_ = 	snop  }
0x6: {  	_ = 	snop  }
0x7: {  	_ = 	snop  }
__scs_overlays_trampoline_lowered:
0x8: {  	[smem:$0x3FAB] =	sst s0  }
0x9: {  	[smem:$0x3FAC] =	sst s1  }
0xa: {  	[smem:$0x3FAD] =	sst s2  }
0xb: {  	[smem:$0x3FAE] =	sst s3  }
0xc: {  	[smem:$0x3FAF] =	sst s4  }
0xd: {  	[smem:$0x3FB0] =	sst s5  }
0xe: {  	[smem:$0x3FB1] =	sst s6  }
0xf: {  	[smem:$0x3FB2] =	sst s7  }
0x10: {  	[smem:$0x3FB3] =	sst s8  }
0x11: {  	[smem:$0x3FB4] =	sst s9;
	s0 =	simm.s32 @!p0 $0x0  }
0x12: {  	s1 =	sld [smem:$0x3F9A];
	s0 =	simm.s32 @p0 $0x1  }
0x13: {  	[smem:$0x3FB5] =	sst s0;
	s0 =	simm.s32 @!p1 $0x0  }
0x14: {  	s2 =	sld [smem:$0x3F99];
	s0 =	simm.s32 @p1 $0x1  }
0x15: {  	[smem:$0x3FB6] =	sst s0;
	s0 =	simm.s32 @!p2 $0x0  }
0x16: {  	s3 =	sld [smem:$0x3FDB];
	s0 =	simm.s32 @p2 $0x1  }
0x17: {  	s4 =	simm.s32 $0x1BF5;
	[smem:$0x3FB8] =	sst s0  }
0x18: {  	s0 =	sld [smem:$0x3F9B];
	_ =	swait.ge [sflag:s4], $0x0  }
0x19: {  	s7 =	sld [smem:$0x3F9C]  }
0x1a: {  	s8 =	sadd.s32 $0xFFFFE003, lr  }
0x1b: {  	s9 =	sadd.s32 $0xFFFFFEF7, lr;
	s5 =	simm.s32 $0xFFFFFFFF;
	p2 =	slt.u32 s8, $0xFFFFF086  }
0x1c: {  	p1 =	slt.u32 s9, $0xF7A;
	s5 =	simm.s32 @!p2 $0x0  }
0x1d: {  	s5 =	simm.s32 @p1 $0x1;
	p0 =	seq.s32 s7, s2  }
0x1e: {  	s7 =	smul.u32 @!p0 $0xF7A, s2;
	p2 =	seq.s32 @!p0 s5, $0x0  }
0x1f: {  	s9 =	smul.u32 $0xF7A, s1;
	s8 =	simm.s32 @!p0 $0x1BF5;
	p2 =	por !p2, p0  }
0x20: {  	[sflag:s8] =	ssyncset.s32 @!p0 $0xFFFFF086;
	s6 =	sadd.s32 @!p0 s3, s7;
	s7 =	simm.s32 @!p0 $0x108  }
0x21: {  	s3 =	sadd.s32 s3, s9;
	s6 =	sadd.s32 @!p0 $0x88, s6;
	s7 =	simm.s32 @p2 $0x1082  }
0x22: {  	[simem:s7], [sflag:s8] =	dma.local @!p0 [hbm:s6], $0xF7A  }
0x23: {  	s9 =	sor.u32 $0xD0000000, s2;
	s6 =	simm.s32 $0x108;
	_ =	swait.ge @!p0 [sflag:s8], $0x0  }
0x24: {  	s3 =	sadd.s32 $0x88, s3;
	s6 =	simm.s32 @!p1 $0x1082;
	[sflag:s4] =	ssyncset.s32 $0xFFFFF086  }
0x25: {  	[simem:s6], [sflag:s4] =	dma.local [hbm:s3], $0xF7A  }
0x26: {  	[smem:$0x3F9C] =	sst s1;
	(tag) =	ssettag s2;
	_ =	strace s9  }
0x27: {  	s1 =	sld [smem:$0x3FAC]  }
0x28: {  	s2 =	sld [smem:$0x3FAD]  }
0x29: {  	s4 =	sld [smem:$0x3FAF]  }
0x2a: {  	p0 =	seq.s32 s5, $0x0;
	s5 =	sld [smem:$0x3FB0]  }
0x2b: {  	s6 =	sld [smem:$0x3FB1]  }
0x2c: {  	s7 =	sld [smem:$0x3FB2]  }
0x2d: {  	s3 =	simm.s32 $0x108;
	s8 =	sld [smem:$0x3FB3]  }
0x2e: {  	s3 =	simm.s32 @!p0 $0x1082;
	s9 =	sld [smem:$0x3FB4]  }
0x2f: {  	lr =	sadd.s32 s0, s3;
	s0 =	sld [smem:$0x3FAB]  }
0x30: {  	s3 =	sld [smem:$0x3FAE]  }
0x31: {  	[smem:$0x3FB7] =	sst s10  }
0x32: {  	s10 =	sld [smem:$0x3FB5];
	_ =	sdelay $0x3  }
0x33: {  	p0 =	seq.s32 s10, $0x1;
	s10 =	sld [smem:$0x3FB7];
	_ =	sdelay $0x3  }
0x34: {  	[smem:$0x3FB7] =	sst s10  }
0x35: {  	s10 =	sld [smem:$0x3FB6];
	_ =	sdelay $0x3  }
0x36: {  	p1 =	seq.s32 s10, $0x1;
	s10 =	sld [smem:$0x3FB7];
	_ =	sdelay $0x3  }
0x37: {  	[smem:$0x3FB7] =	sst s10  }
0x38: {  	s10 =	sld [smem:$0x3FB8]  }
0x39: {  	_ = 	snop;
	(pc) =	sbr.ind lr, $3  }
0x3a: {  	_ = 	snop  }
0x3b: {  	_ = 	snop  }
0x3c: {  	p2 =	seq.s32 s10, $0x1;
	s10 =	sld [smem:$0x3FB7]  }
0x3d: {  	_ =	shalt  }
0x3e: {  	_ =	shalt  }
0x3f: {  	_ =	shalt  }
0x40: {  	_ =	shalt  }
0x41: {  	_ =	shalt  }
0x42: {  	_ =	shalt  }
0x43: {  	_ =	shalt  }
0x44: {  	_ =	shalt  }
0x45: {  	_ =	shalt  }
0x46: {  	_ =	shalt  }
0x47: {  	_ =	shalt  }
0x48: {  	_ =	shalt  }
0x49: {  	_ =	shalt  }
0x4a: {  	_ =	shalt  }
0x4b: {  	_ =	shalt  }
0x4c: {  	_ =	shalt  }
0x4d: {  	_ =	shalt  }
0x4e: {  	_ =	shalt  }
0x4f: {  	_ =	shalt  }
0x50: {  	_ =	shalt  }
0x51: {  	_ =	shalt  }
0x52: {  	_ =	shalt  }
0x53: {  	_ =	shalt  }
0x54: {  	_ =	shalt  }
0x55: {  	_ =	shalt  }
0x56: {  	_ =	shalt  }
0x57: {  	_ =	shalt  }
0x58: {  	_ =	shalt  }
0x59: {  	_ =	shalt  }
0x5a: {  	_ =	shalt  }
0x5b: {  	_ =	shalt  }
0x5c: {  	_ =	shalt  }
0x5d: {  	_ =	shalt  }
0x5e: {  	_ =	shalt  }
0x5f: {  	_ =	shalt  }
0x60: {  	_ =	shalt  }
0x61: {  	_ =	shalt  }
0x62: {  	_ =	shalt  }
0x63: {  	_ =	shalt  }
0x64: {  	_ =	shalt  }
0x65: {  	_ =	shalt  }
0x66: {  	_ =	shalt  }
0x67: {  	_ =	shalt  }
0x68: {  	_ =	shalt  }
0x69: {  	_ =	shalt  }
0x6a: {  	_ =	shalt  }
0x6b: {  	_ =	shalt  }
0x6c: {  	_ =	shalt  }
0x6d: {  	_ =	shalt  }
0x6e: {  	_ =	shalt  }
0x6f: {  	_ =	shalt  }
0x70: {  	_ =	shalt  }
0x71: {  	_ =	shalt  }
0x72: {  	_ =	shalt  }
0x73: {  	_ =	shalt  }
0x74: {  	_ =	shalt  }
0x75: {  	_ =	shalt  }
0x76: {  	_ =	shalt  }
0x77: {  	_ =	shalt  }
0x78: {  	_ =	shalt  }
0x79: {  	_ =	shalt  }
0x7a: {  	_ =	shalt  }
0x7b: {  	_ =	shalt  }
0x7c: {  	_ =	shalt  }
0x7d: {  	_ =	shalt  }
0x7e: {  	_ =	shalt  }
0x7f: {  	_ =	shalt  }
0x80: {  	_ =	shalt  }
0x81: {  	_ =	shalt  }
0x82: {  	_ =	shalt  }
0x83: {  	_ =	shalt  }
0x84: {  	_ =	shalt  }
0x85: {  	_ =	shalt  }
0x86: {  	_ =	shalt  }
0x87: {  	_ =	shalt  }
.Lfunc_end0:
.L_simem_size_0:
called_computation_lowered:
.L_overlay_start_0:
0x88: {  	s2 =	sld [smem:$0x3FD9]  }
0x89: {  	s3 =	sld [smem:$0x3FFE];
	_ =	sdelay $0x1  }
0x8a: {  	s1 =	srdreg.scid  }
0x8b: {  	s0 =	sand.u32 $0x1, s1  }
0x8c: {  	s17 =	sshll.u32 s0, $0xA;
	s2 =	sadd.s32 s3, s2  }
0x8d: {  	s2 =	sadd.s32 s2, s17  }
0x8e: {  	[smem:$0x3FC3] =	sst s2  }
0x8f: {  	_ = 	snop  }
0x90: {  	s2 =	sld [smem:$0x3FD0];
	(tm) =	ssettm $0x1  }
0x91: {  	s18 =	sld [smem:$0x3FFB];
	_ =	sdelay $0x3  }
0x92: {  	_ =	strace s18  }
0x93: {  	s3 =	sld [smem:$0x3FFC];
	_ =	sdelay $0x3  }
0x94: {  	_ =	strace s3  }
0x95: {  	s3 =	sld [smem:$0x3FFD];
	_ =	sdelay $0x3  }
0x96: {  	_ =	strace s3  }
0x97: {  	_ =	strace $0x8FFFFFFF  }
0x98: {  	s19 =	sld [smem:$0x3FDB];
	_ =	sdelay $0x1  }
0x99: {  	s4 =	simm.s32 $_scs_section_size  }
0x9a: {  	s5 =	simm.s32 $_size__tile_overlayer_lowered;
	s6 =	simm.s32 $_tile_overlayer_lowered  }
0x9b: {  	s22 =	simm.s32 $0x1BFF;
	s21 =	sshll.u32 s6, $0x1;
	s3 =	sadd.s32 s4, s19  }
0x9c: {  	s7 =	simm.s32 $0x0;
	s20 =	sshll.u32 s5, $0x1;
	s5 =	sadd.s32 s21, s3  }
0x9d: {  	[timem:s7], [sflag:s22] =	dma.local [hbm:s5], s20  }
0x9e: {  	_ =	swait.ge [sflag:s22], s20  }
0x9f: {  	s4 =	ssub.s32 $0x0, s20;
	[sflag:s22] =	ssyncset.done $0x0  }
0xa0: {  	[sflag:s22] =	ssyncadd.s32 s4;
	_ =	sdelay $0x1  }
0xa1: {  	s23 =	simm.s32 $0x1B8B  }
0xa2: {  	_ =	swait.ge [sflag:s23], $0x1  }
0xa3: {  	[sflag:s23] =	ssyncset.done $0x0  }
0xa4: {  	s25 =	simm.s32 $0x1B8E;
	s24 =	sld [smem:$0x3FFE];
	[sflag:s23] =	ssyncadd.s32 $0xFFFFFFFF  }
0xa5: {  	s26 =	simm.s32 $execute0_lowered;
	[smem:$0x3FD2] =	sst s25  }
0xa6: {  	s5 =	sshll.u32 s26, $0x1;
	_ =	strace $0x80000046;
	[dreg:$0x1] =	wrdreg $0xFFFFFFFF  }
0xa7: {  	s28 =	simm.s32 $_size_execute0_lowered;
	s3 =	sadd.s32 s3, s5;
	[dreg:$0x0] =	wrdreg $0x0  }
0xa8: {  	s5 =	sshll.u32 s28, $0x1;
	[dreg:$0x2] =	wrdreg s3  }
0xa9: {  	[dreg:$0x3] =	wrdreg s5  }
0xaa: {  	[dreg:$0x4] =	wrdreg $0xC0  }
0xab: {  	_ =	task [dreg:s7], $0x5FFFF  }
0xac: {  	[dreg:$0x1] =	wrdreg $0xFFFFFFFF  }
0xad: {  	[dreg:$0x0] =	wrdreg $0x60  }
0xae: {  	[dreg:$0x2] =	wrdreg s24  }
0xaf: {  	[dreg:$0x3] =	wrdreg s2  }
0xb0: {  	[dreg:$0x4] =	wrdreg $0x9  }
0xb1: {  	_ =	task.clear_ibuf [dreg:s7], $0x5FFFF;
	_ =	strace $0x90000046  }
0xb2: {  	s29 =	simm.s32 $0x9;
	_ =	strace $0x80000048  }
0xb3: {  	_ =	swait.ge [sflag:s29], $0x1  }
0xb4: {  	[sflag:s29] =	ssyncadd.s32 $0xFFFFFFFF  }
0xb5: {  	_ =	strace $0x90000048  }
0xb6: {  	_ =	sfence  }
0xb7: {  	s30 =	sld [smem:$0x0];
	_ =	sdelay $0x2  }
0xb8: {  	s31 =	sshll.u32 s1, $0xD;
	s1 =	sshrl.u32 s1, $0x2  }
0xb9: {  	s3 =	sand.u32 $0x4000, s31;
	s1 =	sadd.s32 s1, s30  }
0xba: {  	s0 =	sor.u32 s3, s0;
	s1 =	sshll.u32 s1, $0x11  }
0xbb: {  	s0 =	sor.u32 s1, s0  }
0xbc: {  	s0 =	sadd.s32 $0x8F2B, s0  }
0xbd: {  	[sflag:s0] =	ssyncadd.remote.s32 $0x1  }
0xbe: {  	_ =	sfence.sel $0xFFFF  }
0xbf: {  	[dreg:$0x0] =	wrdreg $0xFFFFFFFF;
	(pc) =	sbr.abs _section_cstart, $3  }
0xc0: {  	[dreg:$0x1] =	wrdreg $0xFFFFFFFF  }
0xc1: {  	_ =	task.clear_ibuf [dreg:s7], $0x2FFFF;
	_ =	strace $0x9FFFFFFF  }
0xc2: {  	(tm) =	ssettm $0x7FFFFFFF  }
0xc3: {  	_ =	shalt  }
tec
execute0_lowered:
.L_overlay_start_1:
0x0: {  	(tag) =	ssettag $0x1  }
0x1: {  	s1 =	stileid.u32  }
0x2: {  	p0 =	sgt.u32 s1, $0x7  }
.Ltmp0:
0x3: {  	_ = 	snop;
	(pc) =	sbr.rel @p0 .LBB2_4-.Ltmp0, $4  }
0x4: {  	s7 =	rddreg [dreg:$0x0]  }
0x5: {  	s11 =	rddreg [dreg:$0x1];
	s2 =	simm.s32 $0x0  }
0x6: {  	[smem:$0x7FF] =	sst s2  }
0x7: {  	s0 =	rddreg [dreg:$0x2];
	_ =	strace $0x80000047  }
0x8: {  	s3 =	srdreg.scid  }
0x9: {  	s13 =	sand.u32 $0x1, s3  }
0xa: {  	s31 =	sshll.u32 s1, $0x2;
	s4 =	sshll.u32 s13, $0x1  }
0xb: {  	s5 =	sadd.s32 $0x800, s7;
	s12 =	sor.u32 s4, s31  }
0xc: {  	s3 =	simm.s32 $0x1;
	s4 =	sadd.s32 s5, s12  }
0xd: {  	[tilespmem:s2], [sflag:$0x1] =	stream.linear.gather [hbm4b:s4+s2], $0x10, $0x38;
	[tilespmem:$0x280] =	vst v63  }
0xe: {  	_ =	swait.ge [sflag:s3], $0x10  }
0xf: {  	s14 =	sadd.s32 $0x20, s12;
	[sflag:s3] =	ssyncset.done $0x0  }
0x10: {  	s6 =	simm.s32 $0x80;
	s5 =	sadd.s32 s5, s14;
	[sflag:s3] =	ssyncadd.s32 $0xFFFFFFF0  }
0x11: {  	[tilespmem:s6], [sflag:$0x1] =	stream.linear.gather [hbm4b:s5+s2], $0x10, $0x38;
	[tilespmem:$0x280] =	vst v63  }
0x12: {  	_ =	swait.ge [sflag:s3], $0x10  }
0x13: {  	s9 =	sadd.s32 $0x600, s7;
	[sflag:s3] =	ssyncset.done $0x0  }
0x14: {  	s8 =	simm.s32 $0x100;
	s7 =	sadd.s32 s9, s12;
	[sflag:s3] =	ssyncadd.s32 $0xFFFFFFF0  }
0x15: {  	[tilespmem:s8], [sflag:$0x1] =	stream.linear.gather [hbm4b:s7+s2], $0x10, $0x38;
	[tilespmem:$0x280] =	vst v63  }
0x16: {  	_ =	swait.ge [sflag:s3], $0x10  }
0x17: {  	[sflag:s3] =	ssyncset.done $0x0  }
0x18: {  	s10 =	simm.s32 $0x180;
	s9 =	sadd.s32 s9, s14;
	[sflag:s3] =	ssyncadd.s32 $0xFFFFFFF0  }
0x19: {  	[tilespmem:s10], [sflag:$0x1] =	stream.linear.gather [hbm4b:s9+s2], $0x10, $0x38;
	[tilespmem:$0x280] =	vst v63  }
0x1a: {  	_ =	swait.ge [sflag:s3], $0x10  }
0x1b: {  	[sflag:s3] =	ssyncset.done $0x0  }
0x1c: {  	[sflag:s3] =	ssyncadd.s32 $0xFFFFFFF0  }
0x1d: {  	v0 =	vld [tilespmem:$0x80]  }
0x1e: {  	v2 =	vld [tilespmem:$0x0];
	_ =	sdelay $0x2  }
0x1f: {  	v1 =	vld [tilespmem:$0x180]  }
0x20: {  	v3 =	vld [tilespmem:$0x100];
	vm0 =	veq.s32 v0, $0x0;
	vm1 =	veq.s32 v0, $0x6;
	vm2 =	veq.s32 v0, $0x7  }
0x21: {  	vm8 =	veq.s32 v2, $0x0;
	vm9 =	veq.s32 v0, $0x1;
	vm10 =	veq.s32 v2, $0x6  }
0x22: {  	vm11 =	veq.s32 v2, $0x1;
	vm3 =	veq.s32 v0, $0x5;
	vm4 =	veq.s32 v2, $0x3  }
0x23: {  	vm5 =	veq.s32 v0, $0x3;
	vm6 =	veq.s32 v0, $0x4;
	vm12 =	veq.s32 v2, $0x7  }
0x24: {  	vm7 =	veq.s32 v2, $0x5;
	vm13 =	veq.s32 v2, $0x4;
	vm14 =	veq.s32 v2, $0x2  }
0x25: {  	vm15 =	veq.s32 v0, $0x2;
	v4 =	vnsel vm0, $0x0, v1;
	v7 =	vnsel vm8, $0x0, v3  }
0x26: {  	v5 =	vnsel vm1, $0x0, v1;
	v52 =	vnsel vm10, $0x0, v3;
	v4 =	vadd.f32 v4, v7  }
0x27: {  	v9 =	vnsel vm11, $0x0, v3;
	v10 =	vnsel vm9, $0x0, v1;
	v5 =	vadd.f32 v5, v52  }
0x28: {  	v53 =	vnsel vm5, $0x0, v1;
	v55 =	vnsel vm4, $0x0, v3;
	v54 =	vadd.f32 v10, v9;
	[tilespmem:$0x200] =	vst v4  }
0x29: {  	v8 =	vnsel vm3, $0x0, v1;
	v58 =	vnsel vm7, $0x0, v3;
	v57 =	vadd.f32 v53, v55;
	[tilespmem:$0x260] =	vst v5  }
0x2a: {  	v6 =	vnsel vm2, $0x0, v1;
	v61 =	vnsel vm12, $0x0, v3;
	v60 =	vadd.f32 v8, v58;
	[tilespmem:$0x210] =	vst v54  }
0x2b: {  	s22 =	simm.s32 $0x200;
	s19 =	ssub.s32 $0x2, s13;
	v56 =	vnsel vm6, $0x0, v1;
	v59 =	vnsel vm13, $0x0, v3;
	v62 =	vadd.f32 v6, v61;
	[tilespmem:$0x230] =	vst v57  }
0x2c: {  	s26 =	simm.s32 $0x210;
	s25 =	simm.s32 $0x220;
	s20 =	sshrl.u32 s19, $0x1;
	v2 =	vnsel vm14, $0x0, v3;
	v1 =	vnsel vm15, $0x0, v1;
	v63 =	vadd.f32 v56, v59;
	[tilespmem:$0x250] =	vst v60  }
0x2d: {  	s24 =	simm.s32 $0x230;
	s23 =	simm.s32 $0x240;
	s19 =	ssub.s32 s19, s20;
	v1 =	vadd.f32 v1, v2;
	[tilespmem:$0x270] =	vst v62  }
0x2e: {  	s21 =	simm.s32 $0x250;
	s16 =	sadd.s32 s11, s12;
	s28 =	smax.u32 s19, $0x1;
	[tilespmem:$0x240] =	vst v63  }
0x2f: {  	s20 =	simm.s32 $0x260;
	s18 =	sadd.s32 s11, s14;
	p0 =	sne.s32 s28, $0x1;
	[tilespmem:$0x220] =	vst v1  }
0x30: {  	[hbm4b:s16+s2] =	stream.linear.scatter [tilespmem:s22], [sflag:$0x1], $0x10, $0x38;
	[tilespmem:$0x280] =	vst v63  }
.Ltmp1:
0x31: {  	s17 =	sadd.s32 $0x40, s16;
	s15 =	sadd.s32 $0x60, s16;
	(pc) =	sbr.rel @!p0 .LBB2_3-.Ltmp1, $4  }
0x32: {  	s14 =	sadd.s32 $0x80, s16;
	s12 =	sadd.s32 $0xA0, s16;
	_ =	swait.ge [sflag:s3], $0x10  }
0x33: {  	s11 =	sadd.s32 $0xC0, s16;
	s13 =	sadd.s32 $0xE0, s16;
	[sflag:s3] =	ssyncset.done $0x0  }
0x34: {  	s19 =	simm.s32 $0x270;
	s28 =	sadd.s32 $0xFFFFFFFF, s28;
	[sflag:s3] =	ssyncadd.s32 $0xFFFFFFF0  }
0x35: {  	[hbm4b:s18+s2] =	stream.linear.scatter [tilespmem:s26], [sflag:$0x1], $0x10, $0x38;
	[tilespmem:$0x280] =	vst v63  }
.LBB2_2:
0x36: {  	p0 =	sne.s32 s28, $0x1;
	s28 =	sadd.s32 $0xFFFFFFFF, s28;
	_ =	swait.ge [sflag:s3], $0x10  }
0x37: {  	[sflag:s3] =	ssyncset.done $0x0  }
0x38: {  	[sflag:s3] =	ssyncadd.s32 $0xFFFFFFF0  }
0x39: {  	[hbm4b:s17+s2] =	stream.linear.scatter [tilespmem:s25], [sflag:$0x1], $0x10, $0x38;
	[tilespmem:$0x280] =	vst v63  }
0x3a: {  	_ =	swait.ge [sflag:s3], $0x10  }
0x3b: {  	[sflag:s3] =	ssyncset.done $0x0  }
0x3c: {  	[sflag:s3] =	ssyncadd.s32 $0xFFFFFFF0  }
0x3d: {  	[hbm4b:s15+s2] =	stream.linear.scatter [tilespmem:s24], [sflag:$0x1], $0x10, $0x38;
	[tilespmem:$0x280] =	vst v63  }
0x3e: {  	_ =	swait.ge [sflag:s3], $0x10  }
0x3f: {  	[sflag:s3] =	ssyncset.done $0x0  }
0x40: {  	[sflag:s3] =	ssyncadd.s32 $0xFFFFFFF0  }
0x41: {  	[hbm4b:s14+s2] =	stream.linear.scatter [tilespmem:s23], [sflag:$0x1], $0x10, $0x38;
	[tilespmem:$0x280] =	vst v63  }
0x42: {  	_ =	swait.ge [sflag:s3], $0x10  }
0x43: {  	[sflag:s3] =	ssyncset.done $0x0  }
0x44: {  	[sflag:s3] =	ssyncadd.s32 $0xFFFFFFF0  }
0x45: {  	[hbm4b:s12+s2] =	stream.linear.scatter [tilespmem:s21], [sflag:$0x1], $0x10, $0x38;
	[tilespmem:$0x280] =	vst v63  }
0x46: {  	_ =	swait.ge [sflag:s3], $0x10  }
0x47: {  	[sflag:s3] =	ssyncset.done $0x0  }
0x48: {  	[sflag:s3] =	ssyncadd.s32 $0xFFFFFFF0  }
0x49: {  	[hbm4b:s11+s2] =	stream.linear.scatter [tilespmem:s20], [sflag:$0x1], $0x10, $0x38;
	[tilespmem:$0x280] =	vst v63  }
0x4a: {  	_ =	swait.ge [sflag:s3], $0x10  }
0x4b: {  	[sflag:s3] =	ssyncset.done $0x0  }
0x4c: {  	[sflag:s3] =	ssyncadd.s32 $0xFFFFFFF0  }
0x4d: {  	[hbm4b:s13+s2] =	stream.linear.scatter [tilespmem:s19], [sflag:$0x1], $0x10, $0x38;
	[tilespmem:$0x280] =	vst v63  }
0x4e: {  	_ =	swait.ge [sflag:s3], $0x10  }
0x4f: {  	[sflag:s3] =	ssyncset.done $0x0  }
0x50: {  	[sflag:s3] =	ssyncadd.s32 $0xFFFFFFF0  }
0x51: {  	[tilespmem:s2], [sflag:$0x1] =	stream.linear.gather [hbm4b:s4+s2], $0x10, $0x38;
	[tilespmem:$0x280] =	vst v63  }
0x52: {  	_ =	swait.ge [sflag:s3], $0x10  }
0x53: {  	[sflag:s3] =	ssyncset.done $0x0  }
0x54: {  	[sflag:s3] =	ssyncadd.s32 $0xFFFFFFF0  }
0x55: {  	[tilespmem:s6], [sflag:$0x1] =	stream.linear.gather [hbm4b:s5+s2], $0x10, $0x38;
	[tilespmem:$0x280] =	vst v63  }
0x56: {  	_ =	swait.ge [sflag:s3], $0x10  }
0x57: {  	[sflag:s3] =	ssyncset.done $0x0  }
0x58: {  	[sflag:s3] =	ssyncadd.s32 $0xFFFFFFF0  }
0x59: {  	[tilespmem:s8], [sflag:$0x1] =	stream.linear.gather [hbm4b:s7+s2], $0x10, $0x38;
	[tilespmem:$0x280] =	vst v63  }
0x5a: {  	_ =	swait.ge [sflag:s3], $0x10  }
0x5b: {  	[sflag:s3] =	ssyncset.done $0x0  }
0x5c: {  	[sflag:s3] =	ssyncadd.s32 $0xFFFFFFF0  }
0x5d: {  	[tilespmem:s10], [sflag:$0x1] =	stream.linear.gather [hbm4b:s9+s2], $0x10, $0x38;
	[tilespmem:$0x280] =	vst v63  }
0x5e: {  	_ =	swait.ge [sflag:s3], $0x10  }
0x5f: {  	[sflag:s3] =	ssyncset.done $0x0  }
0x60: {  	[sflag:s3] =	ssyncadd.s32 $0xFFFFFFF0  }
0x61: {  	v0 =	vld [tilespmem:$0x80]  }
0x62: {  	v1 =	vld [tilespmem:$0x180]  }
0x63: {  	v2 =	vld [tilespmem:$0x0]  }
0x64: {  	v3 =	vld [tilespmem:$0x100];
	_ =	sdelay $0x1  }
0x65: {  	vm0 =	veq.s32 v0, $0x0;
	vm1 =	veq.s32 v0, $0x6;
	vm2 =	veq.s32 v0, $0x7  }
0x66: {  	v4 =	vnsel vm0, $0x0, v1;
	v5 =	vnsel vm1, $0x0, v1;
	v6 =	vnsel vm2, $0x0, v1  }
0x67: {  	vm1 =	veq.s32 v0, $0x1;
	vm0 =	veq.s32 v2, $0x0;
	vm2 =	veq.s32 v2, $0x6  }
0x68: {  	vm3 =	veq.s32 v0, $0x5;
	v7 =	vnsel vm0, $0x0, v3;
	vm0 =	veq.s32 v2, $0x1  }
0x69: {  	vm5 =	veq.s32 v0, $0x3;
	vm4 =	veq.s32 v2, $0x3;
	v4 =	vadd.f32 v4, v7  }
0x6a: {  	vm6 =	veq.s32 v0, $0x4;
	v7 =	vnsel vm2, $0x0, v3;
	vm2 =	veq.s32 v2, $0x7  }
0x6b: {  	v8 =	vnsel vm3, $0x0, v1;
	vm7 =	veq.s32 v2, $0x5;
	v5 =	vadd.f32 v5, v7  }
0x6c: {  	vm3 =	veq.s32 v2, $0x4;
	v7 =	vnsel vm6, $0x0, v1;
	[tilespmem:$0x200] =	vst v4;
	v4 =	vnsel vm5, $0x0, v1  }
0x6d: {  	v10 =	vnsel vm1, $0x0, v1;
	v11 =	vnsel vm3, $0x0, v3;
	v9 =	vnsel vm0, $0x0, v3;
	[tilespmem:$0x260] =	vst v5  }
0x6e: {  	vm0 =	veq.s32 v2, $0x2;
	v2 =	vnsel vm4, $0x0, v3;
	v5 =	vadd.f32 v10, v9  }
0x6f: {  	v9 =	vnsel vm0, $0x0, v3;
	v2 =	vadd.f32 v4, v2;
	v4 =	vnsel vm7, $0x0, v3  }
0x70: {  	vm0 =	veq.s32 v0, $0x2;
	v3 =	vnsel vm2, $0x0, v3;
	v0 =	vadd.f32 v8, v4;
	[tilespmem:$0x210] =	vst v5  }
0x71: {  	v1 =	vnsel vm0, $0x0, v1;
	v3 =	vadd.f32 v6, v3;
	[tilespmem:$0x230] =	vst v2;
	v2 =	vadd.f32 v7, v11  }
0x72: {  	v1 =	vadd.f32 v1, v9;
	[tilespmem:$0x250] =	vst v0  }
0x73: {  	[tilespmem:$0x270] =	vst v3  }
0x74: {  	[tilespmem:$0x240] =	vst v2  }
0x75: {  	[tilespmem:$0x220] =	vst v1  }
0x76: {  	[hbm4b:s16+s2] =	stream.linear.scatter [tilespmem:s22], [sflag:$0x1], $0x10, $0x38;
	[tilespmem:$0x280] =	vst v63  }
.Ltmp2:
0x77: {  	_ = 	snop;
	(pc) =	sbr.rel @p0 .LBB2_2-.Ltmp2, $4  }
0x78: {  	_ =	swait.ge [sflag:s3], $0x10  }
0x79: {  	[sflag:s3] =	ssyncset.done $0x0  }
0x7a: {  	[sflag:s3] =	ssyncadd.s32 $0xFFFFFFF0  }
0x7b: {  	[hbm4b:s18+s2] =	stream.linear.scatter [tilespmem:s26], [sflag:$0x1], $0x10, $0x38;
	[tilespmem:$0x280] =	vst v63  }
.LBB2_3:
0x7c: {  	_ =	swait.ge [sflag:s3], $0x10  }
0x7d: {  	[sflag:s3] =	ssyncset.done $0x0  }
0x7e: {  	[sflag:s3] =	ssyncadd.s32 $0xFFFFFFF0  }
0x7f: {  	[hbm4b:s17+s2] =	stream.linear.scatter [tilespmem:s25], [sflag:$0x1], $0x10, $0x38;
	[tilespmem:$0x280] =	vst v63  }
0x80: {  	_ =	swait.ge [sflag:s3], $0x10  }
0x81: {  	[sflag:s3] =	ssyncset.done $0x0  }
0x82: {  	[sflag:s3] =	ssyncadd.s32 $0xFFFFFFF0  }
0x83: {  	[hbm4b:s15+s2] =	stream.linear.scatter [tilespmem:s24], [sflag:$0x1], $0x10, $0x38;
	[tilespmem:$0x280] =	vst v63  }
0x84: {  	_ =	swait.ge [sflag:s3], $0x10  }
0x85: {  	[sflag:s3] =	ssyncset.done $0x0  }
0x86: {  	[sflag:s3] =	ssyncadd.s32 $0xFFFFFFF0  }
0x87: {  	[hbm4b:s14+s2] =	stream.linear.scatter [tilespmem:s23], [sflag:$0x1], $0x10, $0x38;
	[tilespmem:$0x280] =	vst v63  }
0x88: {  	_ =	swait.ge [sflag:s3], $0x10  }
0x89: {  	[sflag:s3] =	ssyncset.done $0x0  }
0x8a: {  	[sflag:s3] =	ssyncadd.s32 $0xFFFFFFF0  }
0x8b: {  	[hbm4b:s12+s2] =	stream.linear.scatter [tilespmem:s21], [sflag:$0x1], $0x10, $0x38;
	[tilespmem:$0x280] =	vst v63  }
0x8c: {  	_ =	swait.ge [sflag:s3], $0x10  }
0x8d: {  	[sflag:s3] =	ssyncset.done $0x0  }
0x8e: {  	[sflag:s3] =	ssyncadd.s32 $0xFFFFFFF0  }
0x8f: {  	[hbm4b:s11+s2] =	stream.linear.scatter [tilespmem:s20], [sflag:$0x1], $0x10, $0x38;
	[tilespmem:$0x280] =	vst v63  }
0x90: {  	_ =	swait.ge [sflag:s3], $0x10  }
0x91: {  	[sflag:s3] =	ssyncset.done $0x0  }
0x92: {  	[sflag:s3] =	ssyncadd.s32 $0xFFFFFFF0  }
0x93: {  	[hbm4b:s13+s2] =	stream.linear.scatter [tilespmem:s19], [sflag:$0x1], $0x10, $0x38;
	[tilespmem:$0x280] =	vst v63  }
0x94: {  	_ =	swait.ge [sflag:s3], $0x10  }
0x95: {  	[sflag:s3] =	ssyncset.done $0x0  }
0x96: {  	[sflag:s3] =	ssyncadd.s32 $0xFFFFFFF0  }
.LBB2_4:
0x97: {  	_ =	sfence.sel $0x180000  }
0x98: {  	[bflag:$0x0] =	sbarrier.arrive $0xFFFF  }
0x99: {  	p0 =	sne.s32 s1, $0x0;
	_ =	strace $0x90000047  }
0x9a: {  	s0 =	sadd.s32 @!p0 $0x100000, s0;
	[bflag:$0x2] =	sbarrier.arrive $0xFFFF  }
0x9b: {  	[sflag:s0] =	ssyncadd.tile.s32 @!p0 $0x1;
	_ =	shalt  }
.Lfunc_end2:
_tile_overlayer_lowered:
.L_overlay_start_2:
0x9c: {  	(tag) =	ssettag $0x2  }
0x9d: {  	s0 =	rddreg [dreg:$0x0];
	s2 =	stileid.u32  }
0x9e: {  	s1 =	rddreg [dreg:$0x1];
	p0 =	sne.s32 s2, $0x0  }
0x9f: {  	s3 =	rddreg [dreg:$0x2];
	[bflag:$0x3] =	sbarrier.arrive $0xFFFF;
	s2 =	simm.s32 @!p0 $0x1C01  }
0xa0: {  	[timem:s3], [sflag:s2] =	dma.local @!p0 [hbm:s0], s1  }
0xa1: {  	s0 =	simm.s32 @!p0 $0x1  }
0xa2: {  	_ =	swait.ge @!p0 [sflag:s0], s1  }
0xa3: {  	s1 =	ssub.s32 @!p0 $0x0, s1;
	[sflag:s0] =	ssyncset.done @!p0 $0x0  }
0xa4: {  	[sflag:s0] =	ssyncadd.s32 @!p0 s1  }
0xa5: {  	[bflag:$0x3] =	sbarrier.arrive $0xFFFF  }
0xa6: {  	_ =	shalt  }

</sc_bundles>
